<compile_context>
chip_gen: v7x
topology: tpu7x:2x2x1
jax: 0.10.2.dev20260603
libtpu: 0.0.44.dev20260713+nightly
codegen_flags: <defaults>
</compile_context>

<pallas_src>
import functools

import jax
import jax.numpy as jnp
from jax import lax
from jax.experimental import pallas as pl
from jax.experimental.pallas import tpu as pltpu
from jax.experimental.pallas import tpu_sc as plsc

_SEQ = 4096
_TAB = 2048
_W = 8192
_NEG = -1e9


def _rpe_body(neg_hbm, tab_hbm, out_hbm, tab_v, w2_v, sem, fill_sem):
    c = lax.axis_index("c")
    s = lax.axis_index("s")
    wid = c * 16 + s

    pltpu.async_copy(neg_hbm.at[:, pl.ds(0, 2032)], w2_v.at[:, pl.ds(0, 2032)],
                     fill_sem)
    pltpu.async_copy(neg_hbm.at[:, pl.ds(0, 4064)],
                     w2_v.at[:, pl.ds(4128, 4064)], fill_sem)
    pltpu.sync_copy(tab_hbm, tab_v)

    def place(jc, carry):
        v = tab_v[pl.ds(jc * 16, 16)]
        rv = lax.rev(v, (0,))
        base = 4080 - jc * 16
        for r in range(8):
            w2_v[r, pl.ds(base + r, 16)] = rv
        return carry

    lax.fori_loop(0, 128, place, 0)

    neg16 = jnp.full((16,), _NEG, dtype=jnp.float32)
    for r in range(8):
        w2_v[r, pl.ds(2048 + r - 15, 16)] = neg16
        w2_v[r, pl.ds(2032, 16)] = neg16

    pltpu.make_async_copy(neg_hbm.at[:, pl.ds(0, 2032)],
                          w2_v.at[:, pl.ds(0, 2032)], fill_sem).wait()
    pltpu.make_async_copy(neg_hbm.at[:, pl.ds(0, 4064)],
                          w2_v.at[:, pl.ds(4128, 4064)], fill_sem).wait()
    for r in range(8):
        w2_v[r, pl.ds(4096 + r, 16)] = neg16
        w2_v[r, pl.ds(4112 + r, 16)] = neg16

    base_row = wid * 128

    def fire(g, carry):
        i0 = base_row + g * 8
        pltpu.async_copy(
            w2_v.at[:, pl.ds(4096 - i0, 4096)],
            out_hbm.at[pl.ds(i0, 8), :],
            sem,
        )
        return carry

    lax.fori_loop(0, 16, fire, 0)

    def drain(g, carry):
        i0 = base_row + g * 8
        pltpu.make_async_copy(
            w2_v.at[:, pl.ds(4096 - i0, 4096)],
            out_hbm.at[pl.ds(i0, 8), :],
            sem,
        ).wait()
        return carry

    lax.fori_loop(0, 16, drain, 0)


_rpe = functools.partial(
    pl.kernel,
    out_type=jax.ShapeDtypeStruct((_SEQ, _SEQ), jnp.float32),
    mesh=plsc.VectorSubcoreMesh(core_axis_name="c", subcore_axis_name="s"),
    scratch_types=[
        pltpu.VMEM((_TAB,), jnp.float32),
        pltpu.VMEM((8, _W), jnp.float32),
        pltpu.SemaphoreType.DMA,
        pltpu.SemaphoreType.DMA,
    ],
    compiler_params=pltpu.CompilerParams(use_tc_tiling_on_sc=False),
)(_rpe_body)


def kernel(seq, table):
    del seq
    tab = table.reshape(_TAB)
    neg = jnp.full((8, 4064), _NEG, dtype=jnp.float32)
    out = _rpe(neg, tab)
    return out[:, :, None]

# --- scband reference (transcript-rebuilt; emitter-appended) ---
"""Pipeline reference for scband-rpe-87565793231069 (READ-ONLY COPY).

The authoritative reference and input builder live on the scoring server;
editing this copy changes nothing except your own understanding.
"""

import jax, jax.numpy as jnp
import numpy as np

MAX_POSITION = 2048
SEQ = 4096

def setup_inputs(seed: int = 0) -> dict:
    key = jax.random.key(seed)
    k_tab, = jax.random.split(key, 1)
    table = jax.random.normal(k_tab, (MAX_POSITION, 1), dtype=jnp.float32)
    return {"seq": SEQ, "table": table}

def reference(seq, table):
    seq_zero = (jnp.asarray(seq) * 0).astype(jnp.float32)
    # dist_matrix[i][j] = j - i
    i = (jnp.arange(SEQ, dtype=jnp.float32) + seq_zero)[:, None]
    j = (jnp.arange(SEQ, dtype=jnp.float32) + seq_zero)[None, :]
    dist = j - i
    # embedding_indices = (-dist.clamp(min=-max_position, max=-1)).long() - 1
    idx = (-jnp.clip(dist, -float(MAX_POSITION), -1.0)).astype(jnp.int32) - 1
    # mask = (|dist| >= max_position) | (dist >= 0)
    mask = (jnp.abs(dist) >= MAX_POSITION) | (dist >= 0)
    # embedding lookup: table[idx] -> [seq, seq, 1]
    rp_embed = jnp.take(table, idx, axis=0)
    # RP_embed[mask] = -1e9 (mask broadcasts over last dim)
    rp_embed = jnp.where(mask[..., None], jnp.float32(-1000000000.0), rp_embed)
    return rp_embed

if __name__ == "__main__":
    import jax
    _d = setup_inputs()
    print(jax.jit(kernel)(*tuple(_d.values())))

</pallas_src>

<mosaic_0001>
#map = affine_map<(d0, d1) -> (0, 0)>
#map1 = affine_map<(d0, d1) -> (0)>
module attributes {stable_mosaic.version = 14 : i64} {
  func.func @_rpe_body(%arg0: i32, %arg1: i32, %arg2: memref<8x4064xf32, #tpu.memory_space<hbm>>, %arg3: memref<2048xf32, #tpu.memory_space<hbm>>, %arg4: memref<4096x4096xf32, #tpu.memory_space<hbm>>, %arg5: memref<2048xf32, #tpu.memory_space<vmem>>, %arg6: memref<8x8192xf32, #tpu.memory_space<vmem>>, %arg7: memref<!tpu.dma_semaphore, #tpu.memory_space<semaphore_mem>>, %arg8: memref<!tpu.dma_semaphore, #tpu.memory_space<semaphore_mem>>) attributes {dimension_semantics = [#tpu.dimension_semantics<core_parallel>, #tpu.dimension_semantics<subcore_parallel>], iteration_bounds = array<i64: 2, 16>, scalar_prefetch = 0 : i64, scratch_operands = 4 : i64, tpu.core_type = #tpu.core_type<sc_vector_subcore>, window_params = [{transform_indices = #map}, {transform_indices = #map1}, {transform_indices = #map}]} {
    %mul3A = arith.constant 16 : i32
    %mul3A_0 = arith.muli %arg0, %mul3A : i32
    %add3A = arith.addi %mul3A_0, %arg1 : i32
    %dma_start3A = arith.constant 0 : i32
    %dma_start3A_1 = arith.constant 0 : i32
    %dma_start3A_2 = tpu.memref_slice %arg6[%dma_start3A, %dma_start3A_1] : memref<8x8192xf32, #tpu.memory_space<vmem>> -> memref<8x2032xf32, #tpu.memory_space<vmem>>
    %dma_start3A_3 = arith.constant 0 : i32
    %dma_start3A_4 = arith.constant 0 : i32
    %dma_start3A_5 = tpu.memref_slice %arg2[%dma_start3A_3, %dma_start3A_4] : memref<8x4064xf32, #tpu.memory_space<hbm>> -> memref<8x2032xf32, #tpu.memory_space<hbm>>
    %dma_start3A_6 = arith.constant 0 : i32
    %dma_start3A_7 = arith.constant 0 : i32
    %dma_start3A_8 = tpu.memref_slice %arg6[%dma_start3A_6, %dma_start3A_7] : memref<8x8192xf32, #tpu.memory_space<vmem>> -> memref<8x2032xf32, #tpu.memory_space<vmem>>
    %dma_start3A_9 = arith.constant 0 : i32
    %dma_start3A_10 = arith.constant 0 : i32
    %dma_start3A_11 = tpu.memref_slice %arg2[%dma_start3A_9, %dma_start3A_10] : memref<8x4064xf32, #tpu.memory_space<hbm>> -> memref<8x2032xf32, #tpu.memory_space<hbm>>
    tpu.enqueue_dma source(%dma_start3A_11 : memref<8x2032xf32, #tpu.memory_space<hbm>>) target(%dma_start3A_8 : memref<8x2032xf32, #tpu.memory_space<vmem>>) target_semaphore(%arg8 : memref<!tpu.dma_semaphore, #tpu.memory_space<semaphore_mem>>)
    %dma_start3A_12 = arith.constant 0 : i32
    %dma_start3A_13 = arith.constant 4128 : i32
    %dma_start3A_14 = tpu.memref_slice %arg6[%dma_start3A_12, %dma_start3A_13] : memref<8x8192xf32, #tpu.memory_space<vmem>> -> memref<8x4064xf32, #tpu.memory_space<vmem>>
    %dma_start3A_15 = arith.constant 0 : i32
    %dma_start3A_16 = arith.constant 0 : i32
    %dma_start3A_17 = tpu.memref_slice %arg2[%dma_start3A_15, %dma_start3A_16] : memref<8x4064xf32, #tpu.memory_space<hbm>> -> memref<8x4064xf32, #tpu.memory_space<hbm>>
    %dma_start3A_18 = arith.constant 0 : i32
    %dma_start3A_19 = arith.constant 4128 : i32
    %dma_start3A_20 = tpu.memref_slice %arg6[%dma_start3A_18, %dma_start3A_19] : memref<8x8192xf32, #tpu.memory_space<vmem>> -> memref<8x4064xf32, #tpu.memory_space<vmem>>
    %dma_start3A_21 = arith.constant 0 : i32
    %dma_start3A_22 = arith.constant 0 : i32
    %dma_start3A_23 = tpu.memref_slice %arg2[%dma_start3A_21, %dma_start3A_22] : memref<8x4064xf32, #tpu.memory_space<hbm>> -> memref<8x4064xf32, #tpu.memory_space<hbm>>
    tpu.enqueue_dma source(%dma_start3A_23 : memref<8x4064xf32, #tpu.memory_space<hbm>>) target(%dma_start3A_20 : memref<8x4064xf32, #tpu.memory_space<vmem>>) target_semaphore(%arg8 : memref<!tpu.dma_semaphore, #tpu.memory_space<semaphore_mem>>)
    "tpu.region"() ({
      %run_scoped3A = tpu.sem_alloc : memref<!tpu.dma_semaphore, #tpu.memory_space<semaphore_mem>>
      tpu.enqueue_dma source(%arg3 : memref<2048xf32, #tpu.memory_space<hbm>>) target(%arg5 : memref<2048xf32, #tpu.memory_space<vmem>>) target_semaphore(%run_scoped3A : memref<!tpu.dma_semaphore, #tpu.memory_space<semaphore_mem>>)
      tpu.wait_dma2 semaphore(%run_scoped3A : memref<!tpu.dma_semaphore, #tpu.memory_space<semaphore_mem>>) src(%arg3 : memref<2048xf32, #tpu.memory_space<hbm>>) dst(%arg5 : memref<2048xf32, #tpu.memory_space<vmem>>)
      tpu.yield
    }) : () -> ()
    %scan3A = arith.constant 0 : i32
    %scan3A_24 = arith.constant 0 : i32
    %scan3A_25 = arith.constant 128 : i32
    %scan3A_26 = arith.addi %scan3A_24, %scan3A_25 : i32
    %scan3A_27 = arith.constant 1 : i32
    scf.for %scan3A_258 = %scan3A_24 to %scan3A_26 step %scan3A_27  : i32 {
      %mul3A_259 = arith.constant 16 : i32
      %mul3A_260 = arith.muli %scan3A_258, %mul3A_259 : i32
      %get3A = arith.index_cast %mul3A_260 : i32 to index
      %get3A_261 = tpu.vector_load %arg5[%get3A] {strides = array<i32>} : memref<2048xf32, #tpu.memory_space<vmem>>, vector<16xf32>,
      %get3A_262 = vector.shape_cast %get3A_261 : vector<16xf32> to vector<16xf32>
      %rev3A = arith.constant 15 : i32
      %rev3A_263 = vector.broadcast %rev3A : i32 to vector<16xi32>
      %rev3A_264 = tpu.iota {dimensions = array<i32: 0>} : vector<16xi32>
      %rev3A_265 = arith.subi %rev3A_263, %rev3A_264 : vector<16xi32>
      %rev3A_266 = tpu.dynamic_gather %get3A_262[%rev3A_265] in [0] : vector<16xf32>, vector<16xi32> -> vector<16xf32>
      %mul3A_267 = arith.constant 16 : i32
      %mul3A_268 = arith.muli %scan3A_258, %mul3A_267 : i32
      %sub3A = arith.constant 4080 : i32
      %sub3A_269 = arith.subi %sub3A, %mul3A_268 : i32
      %add3A_270 = arith.constant 0 : i32
      %add3A_271 = arith.addi %sub3A_269, %add3A_270 : i32
      %swap3A_272 = arith.constant 0 : i32
      %swap3A_273 = arith.index_cast %swap3A_272 : i32 to index
      %swap3A_274 = arith.index_cast %add3A_271 : i32 to index
      %swap3A_275 = tpu.vector_load %arg6[%swap3A_273, %swap3A_274] {strides = array<i32>} : memref<8x8192xf32, #tpu.memory_space<vmem>>, vector<1x16xf32>,
      %swap3A_276 = vector.shape_cast %swap3A_275 : vector<1x16xf32> to vector<16xf32>
      %swap3A_277 = vector.shape_cast %rev3A_266 : vector<16xf32> to vector<1x16xf32>
      tpu.vector_store %arg6[%swap3A_273, %swap3A_274], %swap3A_277 {strides = array<i32>} : memref<8x8192xf32, #tpu.memory_space<vmem>>, vector<1x16xf32>,
      %add3A_278 = arith.constant 1 : i32
      %add3A_279 = arith.addi %sub3A_269, %add3A_278 : i32
      %swap3A_280 = arith.constant 1 : i32
      %swap3A_281 = arith.index_cast %swap3A_280 : i32 to index
      %swap3A_282 = arith.index_cast %add3A_279 : i32 to index
      %swap3A_283 = tpu.vector_load %arg6[%swap3A_281, %swap3A_282] {strides = array<i32>} : memref<8x8192xf32, #tpu.memory_space<vmem>>, vector<1x16xf32>,
      %swap3A_284 = vector.shape_cast %swap3A_283 : vector<1x16xf32> to vector<16xf32>
      %swap3A_285 = vector.shape_cast %rev3A_266 : vector<16xf32> to vector<1x16xf32>
      tpu.vector_store %arg6[%swap3A_281, %swap3A_282], %swap3A_285 {strides = array<i32>} : memref<8x8192xf32, #tpu.memory_space<vmem>>, vector<1x16xf32>,
      %add3A_286 = arith.constant 2 : i32
      %add3A_287 = arith.addi %sub3A_269, %add3A_286 : i32
      %swap3A_288 = arith.constant 2 : i32
      %swap3A_289 = arith.index_cast %swap3A_288 : i32 to index
      %swap3A_290 = arith.index_cast %add3A_287 : i32 to index
      %swap3A_291 = tpu.vector_load %arg6[%swap3A_289, %swap3A_290] {strides = array<i32>} : memref<8x8192xf32, #tpu.memory_space<vmem>>, vector<1x16xf32>,
      %swap3A_292 = vector.shape_cast %swap3A_291 : vector<1x16xf32> to vector<16xf32>
      %swap3A_293 = vector.shape_cast %rev3A_266 : vector<16xf32> to vector<1x16xf32>
      tpu.vector_store %arg6[%swap3A_289, %swap3A_290], %swap3A_293 {strides = array<i32>} : memref<8x8192xf32, #tpu.memory_space<vmem>>, vector<1x16xf32>,
      %add3A_294 = arith.constant 3 : i32
      %add3A_295 = arith.addi %sub3A_269, %add3A_294 : i32
      %swap3A_296 = arith.constant 3 : i32
      %swap3A_297 = arith.index_cast %swap3A_296 : i32 to index
      %swap3A_298 = arith.index_cast %add3A_295 : i32 to index
      %swap3A_299 = tpu.vector_load %arg6[%swap3A_297, %swap3A_298] {strides = array<i32>} : memref<8x8192xf32, #tpu.memory_space<vmem>>, vector<1x16xf32>,
      %swap3A_300 = vector.shape_cast %swap3A_299 : vector<1x16xf32> to vector<16xf32>
      %swap3A_301 = vector.shape_cast %rev3A_266 : vector<16xf32> to vector<1x16xf32>
      tpu.vector_store %arg6[%swap3A_297, %swap3A_298], %swap3A_301 {strides = array<i32>} : memref<8x8192xf32, #tpu.memory_space<vmem>>, vector<1x16xf32>,
      %add3A_302 = arith.constant 4 : i32
      %add3A_303 = arith.addi %sub3A_269, %add3A_302 : i32
      %swap3A_304 = arith.constant 4 : i32
      %swap3A_305 = arith.index_cast %swap3A_304 : i32 to index
      %swap3A_306 = arith.index_cast %add3A_303 : i32 to index
      %swap3A_307 = tpu.vector_load %arg6[%swap3A_305, %swap3A_306] {strides = array<i32>} : memref<8x8192xf32, #tpu.memory_space<vmem>>, vector<1x16xf32>,
      %swap3A_308 = vector.shape_cast %swap3A_307 : vector<1x16xf32> to vector<16xf32>
      %swap3A_309 = vector.shape_cast %rev3A_266 : vector<16xf32> to vector<1x16xf32>
      tpu.vector_store %arg6[%swap3A_305, %swap3A_306], %swap3A_309 {strides = array<i32>} : memref<8x8192xf32, #tpu.memory_space<vmem>>, vector<1x16xf32>,
      %add3A_310 = arith.constant 5 : i32
      %add3A_311 = arith.addi %sub3A_269, %add3A_310 : i32
      %swap3A_312 = arith.constant 5 : i32
      %swap3A_313 = arith.index_cast %swap3A_312 : i32 to index
      %swap3A_314 = arith.index_cast %add3A_311 : i32 to index
      %swap3A_315 = tpu.vector_load %arg6[%swap3A_313, %swap3A_314] {strides = array<i32>} : memref<8x8192xf32, #tpu.memory_space<vmem>>, vector<1x16xf32>,
      %swap3A_316 = vector.shape_cast %swap3A_315 : vector<1x16xf32> to vector<16xf32>
      %swap3A_317 = vector.shape_cast %rev3A_266 : vector<16xf32> to vector<1x16xf32>
      tpu.vector_store %arg6[%swap3A_313, %swap3A_314], %swap3A_317 {strides = array<i32>} : memref<8x8192xf32, #tpu.memory_space<vmem>>, vector<1x16xf32>,
      %add3A_318 = arith.constant 6 : i32
      %add3A_319 = arith.addi %sub3A_269, %add3A_318 : i32
      %swap3A_320 = arith.constant 6 : i32
      %swap3A_321 = arith.index_cast %swap3A_320 : i32 to index
      %swap3A_322 = arith.index_cast %add3A_319 : i32 to index
      %swap3A_323 = tpu.vector_load %arg6[%swap3A_321, %swap3A_322] {strides = array<i32>} : memref<8x8192xf32, #tpu.memory_space<vmem>>, vector<1x16xf32>,
      %swap3A_324 = vector.shape_cast %swap3A_323 : vector<1x16xf32> to vector<16xf32>
      %swap3A_325 = vector.shape_cast %rev3A_266 : vector<16xf32> to vector<1x16xf32>
      tpu.vector_store %arg6[%swap3A_321, %swap3A_322], %swap3A_325 {strides = array<i32>} : memref<8x8192xf32, #tpu.memory_space<vmem>>, vector<1x16xf32>,
      %add3A_326 = arith.constant 7 : i32
      %add3A_327 = arith.addi %sub3A_269, %add3A_326 : i32
      %swap3A_328 = arith.constant 7 : i32
      %swap3A_329 = arith.index_cast %swap3A_328 : i32 to index
      %swap3A_330 = arith.index_cast %add3A_327 : i32 to index
      %swap3A_331 = tpu.vector_load %arg6[%swap3A_329, %swap3A_330] {strides = array<i32>} : memref<8x8192xf32, #tpu.memory_space<vmem>>, vector<1x16xf32>,
      %swap3A_332 = vector.shape_cast %swap3A_331 : vector<1x16xf32> to vector<16xf32>
      %swap3A_333 = vector.shape_cast %rev3A_266 : vector<16xf32> to vector<1x16xf32>
      tpu.vector_store %arg6[%swap3A_329, %swap3A_330], %swap3A_333 {strides = array<i32>} : memref<8x8192xf32, #tpu.memory_space<vmem>>, vector<1x16xf32>,
    }
    %scan3A_28 = arith.constant 128 : i32
    %broadcast_in_dim3A = arith.constant -1.000000e+09 : f32
    %broadcast_in_dim3A_29 = vector.broadcast %broadcast_in_dim3A : f32 to vector<16xf32>
    %swap3A = arith.constant 0 : i32
    %swap3A_30 = arith.index_cast %swap3A : i32 to index
    %swap3A_31 = arith.constant 2033 : index
    %swap3A_32 = tpu.vector_load %arg6[%swap3A_30, %swap3A_31] {strides = array<i32>} : memref<8x8192xf32, #tpu.memory_space<vmem>>, vector<1x16xf32>,
    %swap3A_33 = vector.shape_cast %swap3A_32 : vector<1x16xf32> to vector<16xf32>
    %swap3A_34 = vector.shape_cast %broadcast_in_dim3A_29 : vector<16xf32> to vector<1x16xf32>
    tpu.vector_store %arg6[%swap3A_30, %swap3A_31], %swap3A_34 {strides = array<i32>} : memref<8x8192xf32, #tpu.memory_space<vmem>>, vector<1x16xf32>,
    %swap3A_35 = arith.constant 0 : i32
    %swap3A_36 = arith.index_cast %swap3A_35 : i32 to index
    %swap3A_37 = arith.constant 2032 : index
    %swap3A_38 = tpu.vector_load %arg6[%swap3A_36, %swap3A_37] {strides = array<i32>} : memref<8x8192xf32, #tpu.memory_space<vmem>>, vector<1x16xf32>,
    %swap3A_39 = vector.shape_cast %swap3A_38 : vector<1x16xf32> to vector<16xf32>
    %swap3A_40 = vector.shape_cast %broadcast_in_dim3A_29 : vector<16xf32> to vector<1x16xf32>
    tpu.vector_store %arg6[%swap3A_36, %swap3A_37], %swap3A_40 {strides = array<i32>} : memref<8x8192xf32, #tpu.memory_space<vmem>>, vector<1x16xf32>,
    %swap3A_41 = arith.constant 1 : i32
    %swap3A_42 = arith.index_cast %swap3A_41 : i32 to index
    %swap3A_43 = arith.constant 2034 : index
    %swap3A_44 = tpu.vector_load %arg6[%swap3A_42, %swap3A_43] {strides = array<i32>} : memref<8x8192xf32, #tpu.memory_space<vmem>>, vector<1x16xf32>,
    %swap3A_45 = vector.shape_cast %swap3A_44 : vector<1x16xf32> to vector<16xf32>
    %swap3A_46 = vector.shape_cast %broadcast_in_dim3A_29 : vector<16xf32> to vector<1x16xf32>
    tpu.vector_store %arg6[%swap3A_42, %swap3A_43], %swap3A_46 {strides = array<i32>} : memref<8x8192xf32, #tpu.memory_space<vmem>>, vector<1x16xf32>,
    %swap3A_47 = arith.constant 1 : i32
    %swap3A_48 = arith.index_cast %swap3A_47 : i32 to index
    %swap3A_49 = arith.constant 2032 : index
    %swap3A_50 = tpu.vector_load %arg6[%swap3A_48, %swap3A_49] {strides = array<i32>} : memref<8x8192xf32, #tpu.memory_space<vmem>>, vector<1x16xf32>,
    %swap3A_51 = vector.shape_cast %swap3A_50 : vector<1x16xf32> to vector<16xf32>
    %swap3A_52 = vector.shape_cast %broadcast_in_dim3A_29 : vector<16xf32> to vector<1x16xf32>
    tpu.vector_store %arg6[%swap3A_48, %swap3A_49], %swap3A_52 {strides = array<i32>} : memref<8x8192xf32, #tpu.memory_space<vmem>>, vector<1x16xf32>,
    %swap3A_53 = arith.constant 2 : i32
    %swap3A_54 = arith.index_cast %swap3A_53 : i32 to index
    %swap3A_55 = arith.constant 2035 : index
    %swap3A_56 = tpu.vector_load %arg6[%swap3A_54, %swap3A_55] {strides = array<i32>} : memref<8x8192xf32, #tpu.memory_space<vmem>>, vector<1x16xf32>,
    %swap3A_57 = vector.shape_cast %swap3A_56 : vector<1x16xf32> to vector<16xf32>
    %swap3A_58 = vector.shape_cast %broadcast_in_dim3A_29 : vector<16xf32> to vector<1x16xf32>
    tpu.vector_store %arg6[%swap3A_54, %swap3A_55], %swap3A_58 {strides = array<i32>} : memref<8x8192xf32, #tpu.memory_space<vmem>>, vector<1x16xf32>,
    %swap3A_59 = arith.constant 2 : i32
    %swap3A_60 = arith.index_cast %swap3A_59 : i32 to index
    %swap3A_61 = arith.constant 2032 : index
    %swap3A_62 = tpu.vector_load %arg6[%swap3A_60, %swap3A_61] {strides = array<i32>} : memref<8x8192xf32, #tpu.memory_space<vmem>>, vector<1x16xf32>,
    %swap3A_63 = vector.shape_cast %swap3A_62 : vector<1x16xf32> to vector<16xf32>
    %swap3A_64 = vector.shape_cast %broadcast_in_dim3A_29 : vector<16xf32> to vector<1x16xf32>
    tpu.vector_store %arg6[%swap3A_60, %swap3A_61], %swap3A_64 {strides = array<i32>} : memref<8x8192xf32, #tpu.memory_space<vmem>>, vector<1x16xf32>,
    %swap3A_65 = arith.constant 3 : i32
    %swap3A_66 = arith.index_cast %swap3A_65 : i32 to index
    %swap3A_67 = arith.constant 2036 : index
    %swap3A_68 = tpu.vector_load %arg6[%swap3A_66, %swap3A_67] {strides = array<i32>} : memref<8x8192xf32, #tpu.memory_space<vmem>>, vector<1x16xf32>,
    %swap3A_69 = vector.shape_cast %swap3A_68 : vector<1x16xf32> to vector<16xf32>
    %swap3A_70 = vector.shape_cast %broadcast_in_dim3A_29 : vector<16xf32> to vector<1x16xf32>
    tpu.vector_store %arg6[%swap3A_66, %swap3A_67], %swap3A_70 {strides = array<i32>} : memref<8x8192xf32, #tpu.memory_space<vmem>>, vector<1x16xf32>,
    %swap3A_71 = arith.constant 3 : i32
    %swap3A_72 = arith.index_cast %swap3A_71 : i32 to index
    %swap3A_73 = arith.constant 2032 : index
    %swap3A_74 = tpu.vector_load %arg6[%swap3A_72, %swap3A_73] {strides = array<i32>} : memref<8x8192xf32, #tpu.memory_space<vmem>>, vector<1x16xf32>,
    %swap3A_75 = vector.shape_cast %swap3A_74 : vector<1x16xf32> to vector<16xf32>
    %swap3A_76 = vector.shape_cast %broadcast_in_dim3A_29 : vector<16xf32> to vector<1x16xf32>
    tpu.vector_store %arg6[%swap3A_72, %swap3A_73], %swap3A_76 {strides = array<i32>} : memref<8x8192xf32, #tpu.memory_space<vmem>>, vector<1x16xf32>,
    %swap3A_77 = arith.constant 4 : i32
    %swap3A_78 = arith.index_cast %swap3A_77 : i32 to index
    %swap3A_79 = arith.constant 2037 : index
    %swap3A_80 = tpu.vector_load %arg6[%swap3A_78, %swap3A_79] {strides = array<i32>} : memref<8x8192xf32, #tpu.memory_space<vmem>>, vector<1x16xf32>,
    %swap3A_81 = vector.shape_cast %swap3A_80 : vector<1x16xf32> to vector<16xf32>
    %swap3A_82 = vector.shape_cast %broadcast_in_dim3A_29 : vector<16xf32> to vector<1x16xf32>
    tpu.vector_store %arg6[%swap3A_78, %swap3A_79], %swap3A_82 {strides = array<i32>} : memref<8x8192xf32, #tpu.memory_space<vmem>>, vector<1x16xf32>,
    %swap3A_83 = arith.constant 4 : i32
    %swap3A_84 = arith.index_cast %swap3A_83 : i32 to index
    %swap3A_85 = arith.constant 2032 : index
    %swap3A_86 = tpu.vector_load %arg6[%swap3A_84, %swap3A_85] {strides = array<i32>} : memref<8x8192xf32, #tpu.memory_space<vmem>>, vector<1x16xf32>,
    %swap3A_87 = vector.shape_cast %swap3A_86 : vector<1x16xf32> to vector<16xf32>
    %swap3A_88 = vector.shape_cast %broadcast_in_dim3A_29 : vector<16xf32> to vector<1x16xf32>
    tpu.vector_store %arg6[%swap3A_84, %swap3A_85], %swap3A_88 {strides = array<i32>} : memref<8x8192xf32, #tpu.memory_space<vmem>>, vector<1x16xf32>,
    %swap3A_89 = arith.constant 5 : i32
    %swap3A_90 = arith.index_cast %swap3A_89 : i32 to index
    %swap3A_91 = arith.constant 2038 : index
    %swap3A_92 = tpu.vector_load %arg6[%swap3A_90, %swap3A_91] {strides = array<i32>} : memref<8x8192xf32, #tpu.memory_space<vmem>>, vector<1x16xf32>,
    %swap3A_93 = vector.shape_cast %swap3A_92 : vector<1x16xf32> to vector<16xf32>
    %swap3A_94 = vector.shape_cast %broadcast_in_dim3A_29 : vector<16xf32> to vector<1x16xf32>
    tpu.vector_store %arg6[%swap3A_90, %swap3A_91], %swap3A_94 {strides = array<i32>} : memref<8x8192xf32, #tpu.memory_space<vmem>>, vector<1x16xf32>,
    %swap3A_95 = arith.constant 5 : i32
    %swap3A_96 = arith.index_cast %swap3A_95 : i32 to index
    %swap3A_97 = arith.constant 2032 : index
    %swap3A_98 = tpu.vector_load %arg6[%swap3A_96, %swap3A_97] {strides = array<i32>} : memref<8x8192xf32, #tpu.memory_space<vmem>>, vector<1x16xf32>,
    %swap3A_99 = vector.shape_cast %swap3A_98 : vector<1x16xf32> to vector<16xf32>
    %swap3A_100 = vector.shape_cast %broadcast_in_dim3A_29 : vector<16xf32> to vector<1x16xf32>
    tpu.vector_store %arg6[%swap3A_96, %swap3A_97], %swap3A_100 {strides = array<i32>} : memref<8x8192xf32, #tpu.memory_space<vmem>>, vector<1x16xf32>,
    %swap3A_101 = arith.constant 6 : i32
    %swap3A_102 = arith.index_cast %swap3A_101 : i32 to index
    %swap3A_103 = arith.constant 2039 : index
    %swap3A_104 = tpu.vector_load %arg6[%swap3A_102, %swap3A_103] {strides = array<i32>} : memref<8x8192xf32, #tpu.memory_space<vmem>>, vector<1x16xf32>,
    %swap3A_105 = vector.shape_cast %swap3A_104 : vector<1x16xf32> to vector<16xf32>
    %swap3A_106 = vector.shape_cast %broadcast_in_dim3A_29 : vector<16xf32> to vector<1x16xf32>
    tpu.vector_store %arg6[%swap3A_102, %swap3A_103], %swap3A_106 {strides = array<i32>} : memref<8x8192xf32, #tpu.memory_space<vmem>>, vector<1x16xf32>,
    %swap3A_107 = arith.constant 6 : i32
    %swap3A_108 = arith.index_cast %swap3A_107 : i32 to index
    %swap3A_109 = arith.constant 2032 : index
    %swap3A_110 = tpu.vector_load %arg6[%swap3A_108, %swap3A_109] {strides = array<i32>} : memref<8x8192xf32, #tpu.memory_space<vmem>>, vector<1x16xf32>,
    %swap3A_111 = vector.shape_cast %swap3A_110 : vector<1x16xf32> to vector<16xf32>
    %swap3A_112 = vector.shape_cast %broadcast_in_dim3A_29 : vector<16xf32> to vector<1x16xf32>
    tpu.vector_store %arg6[%swap3A_108, %swap3A_109], %swap3A_112 {strides = array<i32>} : memref<8x8192xf32, #tpu.memory_space<vmem>>, vector<1x16xf32>,
    %swap3A_113 = arith.constant 7 : i32
    %swap3A_114 = arith.index_cast %swap3A_113 : i32 to index
    %swap3A_115 = arith.constant 2040 : index
    %swap3A_116 = tpu.vector_load %arg6[%swap3A_114, %swap3A_115] {strides = array<i32>} : memref<8x8192xf32, #tpu.memory_space<vmem>>, vector<1x16xf32>,
    %swap3A_117 = vector.shape_cast %swap3A_116 : vector<1x16xf32> to vector<16xf32>
    %swap3A_118 = vector.shape_cast %broadcast_in_dim3A_29 : vector<16xf32> to vector<1x16xf32>
    tpu.vector_store %arg6[%swap3A_114, %swap3A_115], %swap3A_118 {strides = array<i32>} : memref<8x8192xf32, #tpu.memory_space<vmem>>, vector<1x16xf32>,
    %swap3A_119 = arith.constant 7 : i32
    %swap3A_120 = arith.index_cast %swap3A_119 : i32 to index
    %swap3A_121 = arith.constant 2032 : index
    %swap3A_122 = tpu.vector_load %arg6[%swap3A_120, %swap3A_121] {strides = array<i32>} : memref<8x8192xf32, #tpu.memory_space<vmem>>, vector<1x16xf32>,
    %swap3A_123 = vector.shape_cast %swap3A_122 : vector<1x16xf32> to vector<16xf32>
    %swap3A_124 = vector.shape_cast %broadcast_in_dim3A_29 : vector<16xf32> to vector<1x16xf32>
    tpu.vector_store %arg6[%swap3A_120, %swap3A_121], %swap3A_124 {strides = array<i32>} : memref<8x8192xf32, #tpu.memory_space<vmem>>, vector<1x16xf32>,
    %dma_wait3A = arith.constant 0 : i32
    %dma_wait3A_125 = arith.constant 0 : i32
    %dma_wait3A_126 = tpu.memref_slice %arg6[%dma_wait3A, %dma_wait3A_125] : memref<8x8192xf32, #tpu.memory_space<vmem>> -> memref<8x2032xf32, #tpu.memory_space<vmem>>
    %dma_wait3A_127 = arith.constant 0 : i32
    %dma_wait3A_128 = arith.constant 0 : i32
    %dma_wait3A_129 = tpu.memref_slice %arg2[%dma_wait3A_127, %dma_wait3A_128] : memref<8x4064xf32, #tpu.memory_space<hbm>> -> memref<8x2032xf32, #tpu.memory_space<hbm>>
    %dma_wait3A_130 = arith.constant 0 : i32
    %dma_wait3A_131 = arith.constant 0 : i32
    %dma_wait3A_132 = tpu.memref_slice %arg6[%dma_wait3A_130, %dma_wait3A_131] : memref<8x8192xf32, #tpu.memory_space<vmem>> -> memref<8x2032xf32, #tpu.memory_space<vmem>>
    %dma_wait3A_133 = arith.constant 0 : i32
    %dma_wait3A_134 = arith.constant 0 : i32
    %dma_wait3A_135 = tpu.memref_slice %arg2[%dma_wait3A_133, %dma_wait3A_134] : memref<8x4064xf32, #tpu.memory_space<hbm>> -> memref<8x2032xf32, #tpu.memory_space<hbm>>
    tpu.wait_dma2 semaphore(%arg8 : memref<!tpu.dma_semaphore, #tpu.memory_space<semaphore_mem>>) src(%dma_wait3A_135 : memref<8x2032xf32, #tpu.memory_space<hbm>>) dst(%dma_wait3A_132 : memref<8x2032xf32, #tpu.memory_space<vmem>>)
    %dma_wait3A_136 = arith.constant 0 : i32
    %dma_wait3A_137 = arith.constant 4128 : i32
    %dma_wait3A_138 = tpu.memref_slice %arg6[%dma_wait3A_136, %dma_wait3A_137] : memref<8x8192xf32, #tpu.memory_space<vmem>> -> memref<8x4064xf32, #tpu.memory_space<vmem>>
    %dma_wait3A_139 = arith.constant 0 : i32
    %dma_wait3A_140 = arith.constant 0 : i32
    %dma_wait3A_141 = tpu.memref_slice %arg2[%dma_wait3A_139, %dma_wait3A_140] : memref<8x4064xf32, #tpu.memory_space<hbm>> -> memref<8x4064xf32, #tpu.memory_space<hbm>>
    %dma_wait3A_142 = arith.constant 0 : i32
    %dma_wait3A_143 = arith.constant 4128 : i32
    %dma_wait3A_144 = tpu.memref_slice %arg6[%dma_wait3A_142, %dma_wait3A_143] : memref<8x8192xf32, #tpu.memory_space<vmem>> -> memref<8x4064xf32, #tpu.memory_space<vmem>>
    %dma_wait3A_145 = arith.constant 0 : i32
    %dma_wait3A_146 = arith.constant 0 : i32
    %dma_wait3A_147 = tpu.memref_slice %arg2[%dma_wait3A_145, %dma_wait3A_146] : memref<8x4064xf32, #tpu.memory_space<hbm>> -> memref<8x4064xf32, #tpu.memory_space<hbm>>
    tpu.wait_dma2 semaphore(%arg8 : memref<!tpu.dma_semaphore, #tpu.memory_space<semaphore_mem>>) src(%dma_wait3A_147 : memref<8x4064xf32, #tpu.memory_space<hbm>>) dst(%dma_wait3A_144 : memref<8x4064xf32, #tpu.memory_space<vmem>>)
    %swap3A_148 = arith.constant 0 : i32
    %swap3A_149 = arith.index_cast %swap3A_148 : i32 to index
    %swap3A_150 = arith.constant 4096 : index
    %swap3A_151 = tpu.vector_load %arg6[%swap3A_149, %swap3A_150] {strides = array<i32>} : memref<8x8192xf32, #tpu.memory_space<vmem>>, vector<1x16xf32>,
    %swap3A_152 = vector.shape_cast %swap3A_151 : vector<1x16xf32> to vector<16xf32>
    %swap3A_153 = vector.shape_cast %broadcast_in_dim3A_29 : vector<16xf32> to vector<1x16xf32>
    tpu.vector_store %arg6[%swap3A_149, %swap3A_150], %swap3A_153 {strides = array<i32>} : memref<8x8192xf32, #tpu.memory_space<vmem>>, vector<1x16xf32>,
    %swap3A_154 = arith.constant 0 : i32
    %swap3A_155 = arith.index_cast %swap3A_154 : i32 to index
    %swap3A_156 = arith.constant 4112 : index
    %swap3A_157 = tpu.vector_load %arg6[%swap3A_155, %swap3A_156] {strides = array<i32>} : memref<8x8192xf32, #tpu.memory_space<vmem>>, vector<1x16xf32>,
    %swap3A_158 = vector.shape_cast %swap3A_157 : vector<1x16xf32> to vector<16xf32>
    %swap3A_159 = vector.shape_cast %broadcast_in_dim3A_29 : vector<16xf32> to vector<1x16xf32>
    tpu.vector_store %arg6[%swap3A_155, %swap3A_156], %swap3A_159 {strides = array<i32>} : memref<8x8192xf32, #tpu.memory_space<vmem>>, vector<1x16xf32>,
    %swap3A_160 = arith.constant 1 : i32
    %swap3A_161 = arith.index_cast %swap3A_160 : i32 to index
    %swap3A_162 = arith.constant 4097 : index
    %swap3A_163 = tpu.vector_load %arg6[%swap3A_161, %swap3A_162] {strides = array<i32>} : memref<8x8192xf32, #tpu.memory_space<vmem>>, vector<1x16xf32>,
    %swap3A_164 = vector.shape_cast %swap3A_163 : vector<1x16xf32> to vector<16xf32>
    %swap3A_165 = vector.shape_cast %broadcast_in_dim3A_29 : vector<16xf32> to vector<1x16xf32>
    tpu.vector_store %arg6[%swap3A_161, %swap3A_162], %swap3A_165 {strides = array<i32>} : memref<8x8192xf32, #tpu.memory_space<vmem>>, vector<1x16xf32>,
    %swap3A_166 = arith.constant 1 : i32
    %swap3A_167 = arith.index_cast %swap3A_166 : i32 to index
    %swap3A_168 = arith.constant 4113 : index
    %swap3A_169 = tpu.vector_load %arg6[%swap3A_167, %swap3A_168] {strides = array<i32>} : memref<8x8192xf32, #tpu.memory_space<vmem>>, vector<1x16xf32>,
    %swap3A_170 = vector.shape_cast %swap3A_169 : vector<1x16xf32> to vector<16xf32>
    %swap3A_171 = vector.shape_cast %broadcast_in_dim3A_29 : vector<16xf32> to vector<1x16xf32>
    tpu.vector_store %arg6[%swap3A_167, %swap3A_168], %swap3A_171 {strides = array<i32>} : memref<8x8192xf32, #tpu.memory_space<vmem>>, vector<1x16xf32>,
    %swap3A_172 = arith.constant 2 : i32
    %swap3A_173 = arith.index_cast %swap3A_172 : i32 to index
    %swap3A_174 = arith.constant 4098 : index
    %swap3A_175 = tpu.vector_load %arg6[%swap3A_173, %swap3A_174] {strides = array<i32>} : memref<8x8192xf32, #tpu.memory_space<vmem>>, vector<1x16xf32>,
    %swap3A_176 = vector.shape_cast %swap3A_175 : vector<1x16xf32> to vector<16xf32>
    %swap3A_177 = vector.shape_cast %broadcast_in_dim3A_29 : vector<16xf32> to vector<1x16xf32>
    tpu.vector_store %arg6[%swap3A_173, %swap3A_174], %swap3A_177 {strides = array<i32>} : memref<8x8192xf32, #tpu.memory_space<vmem>>, vector<1x16xf32>,
    %swap3A_178 = arith.constant 2 : i32
    %swap3A_179 = arith.index_cast %swap3A_178 : i32 to index
    %swap3A_180 = arith.constant 4114 : index
    %swap3A_181 = tpu.vector_load %arg6[%swap3A_179, %swap3A_180] {strides = array<i32>} : memref<8x8192xf32, #tpu.memory_space<vmem>>, vector<1x16xf32>,
    %swap3A_182 = vector.shape_cast %swap3A_181 : vector<1x16xf32> to vector<16xf32>
    %swap3A_183 = vector.shape_cast %broadcast_in_dim3A_29 : vector<16xf32> to vector<1x16xf32>
    tpu.vector_store %arg6[%swap3A_179, %swap3A_180], %swap3A_183 {strides = array<i32>} : memref<8x8192xf32, #tpu.memory_space<vmem>>, vector<1x16xf32>,
    %swap3A_184 = arith.constant 3 : i32
    %swap3A_185 = arith.index_cast %swap3A_184 : i32 to index
    %swap3A_186 = arith.constant 4099 : index
    %swap3A_187 = tpu.vector_load %arg6[%swap3A_185, %swap3A_186] {strides = array<i32>} : memref<8x8192xf32, #tpu.memory_space<vmem>>, vector<1x16xf32>,
    %swap3A_188 = vector.shape_cast %swap3A_187 : vector<1x16xf32> to vector<16xf32>
    %swap3A_189 = vector.shape_cast %broadcast_in_dim3A_29 : vector<16xf32> to vector<1x16xf32>
    tpu.vector_store %arg6[%swap3A_185, %swap3A_186], %swap3A_189 {strides = array<i32>} : memref<8x8192xf32, #tpu.memory_space<vmem>>, vector<1x16xf32>,
    %swap3A_190 = arith.constant 3 : i32
    %swap3A_191 = arith.index_cast %swap3A_190 : i32 to index
    %swap3A_192 = arith.constant 4115 : index
    %swap3A_193 = tpu.vector_load %arg6[%swap3A_191, %swap3A_192] {strides = array<i32>} : memref<8x8192xf32, #tpu.memory_space<vmem>>, vector<1x16xf32>,
    %swap3A_194 = vector.shape_cast %swap3A_193 : vector<1x16xf32> to vector<16xf32>
    %swap3A_195 = vector.shape_cast %broadcast_in_dim3A_29 : vector<16xf32> to vector<1x16xf32>
    tpu.vector_store %arg6[%swap3A_191, %swap3A_192], %swap3A_195 {strides = array<i32>} : memref<8x8192xf32, #tpu.memory_space<vmem>>, vector<1x16xf32>,
    %swap3A_196 = arith.constant 4 : i32
    %swap3A_197 = arith.index_cast %swap3A_196 : i32 to index
    %swap3A_198 = arith.constant 4100 : index
    %swap3A_199 = tpu.vector_load %arg6[%swap3A_197, %swap3A_198] {strides = array<i32>} : memref<8x8192xf32, #tpu.memory_space<vmem>>, vector<1x16xf32>,
    %swap3A_200 = vector.shape_cast %swap3A_199 : vector<1x16xf32> to vector<16xf32>
    %swap3A_201 = vector.shape_cast %broadcast_in_dim3A_29 : vector<16xf32> to vector<1x16xf32>
    tpu.vector_store %arg6[%swap3A_197, %swap3A_198], %swap3A_201 {strides = array<i32>} : memref<8x8192xf32, #tpu.memory_space<vmem>>, vector<1x16xf32>,
    %swap3A_202 = arith.constant 4 : i32
    %swap3A_203 = arith.index_cast %swap3A_202 : i32 to index
    %swap3A_204 = arith.constant 4116 : index
    %swap3A_205 = tpu.vector_load %arg6[%swap3A_203, %swap3A_204] {strides = array<i32>} : memref<8x8192xf32, #tpu.memory_space<vmem>>, vector<1x16xf32>,
    %swap3A_206 = vector.shape_cast %swap3A_205 : vector<1x16xf32> to vector<16xf32>
    %swap3A_207 = vector.shape_cast %broadcast_in_dim3A_29 : vector<16xf32> to vector<1x16xf32>
    tpu.vector_store %arg6[%swap3A_203, %swap3A_204], %swap3A_207 {strides = array<i32>} : memref<8x8192xf32, #tpu.memory_space<vmem>>, vector<1x16xf32>,
    %swap3A_208 = arith.constant 5 : i32
    %swap3A_209 = arith.index_cast %swap3A_208 : i32 to index
    %swap3A_210 = arith.constant 4101 : index
    %swap3A_211 = tpu.vector_load %arg6[%swap3A_209, %swap3A_210] {strides = array<i32>} : memref<8x8192xf32, #tpu.memory_space<vmem>>, vector<1x16xf32>,
    %swap3A_212 = vector.shape_cast %swap3A_211 : vector<1x16xf32> to vector<16xf32>
    %swap3A_213 = vector.shape_cast %broadcast_in_dim3A_29 : vector<16xf32> to vector<1x16xf32>
    tpu.vector_store %arg6[%swap3A_209, %swap3A_210], %swap3A_213 {strides = array<i32>} : memref<8x8192xf32, #tpu.memory_space<vmem>>, vector<1x16xf32>,
    %swap3A_214 = arith.constant 5 : i32
    %swap3A_215 = arith.index_cast %swap3A_214 : i32 to index
    %swap3A_216 = arith.constant 4117 : index
    %swap3A_217 = tpu.vector_load %arg6[%swap3A_215, %swap3A_216] {strides = array<i32>} : memref<8x8192xf32, #tpu.memory_space<vmem>>, vector<1x16xf32>,
    %swap3A_218 = vector.shape_cast %swap3A_217 : vector<1x16xf32> to vector<16xf32>
    %swap3A_219 = vector.shape_cast %broadcast_in_dim3A_29 : vector<16xf32> to vector<1x16xf32>
    tpu.vector_store %arg6[%swap3A_215, %swap3A_216], %swap3A_219 {strides = array<i32>} : memref<8x8192xf32, #tpu.memory_space<vmem>>, vector<1x16xf32>,
    %swap3A_220 = arith.constant 6 : i32
    %swap3A_221 = arith.index_cast %swap3A_220 : i32 to index
    %swap3A_222 = arith.constant 4102 : index
    %swap3A_223 = tpu.vector_load %arg6[%swap3A_221, %swap3A_222] {strides = array<i32>} : memref<8x8192xf32, #tpu.memory_space<vmem>>, vector<1x16xf32>,
    %swap3A_224 = vector.shape_cast %swap3A_223 : vector<1x16xf32> to vector<16xf32>
    %swap3A_225 = vector.shape_cast %broadcast_in_dim3A_29 : vector<16xf32> to vector<1x16xf32>
    tpu.vector_store %arg6[%swap3A_221, %swap3A_222], %swap3A_225 {strides = array<i32>} : memref<8x8192xf32, #tpu.memory_space<vmem>>, vector<1x16xf32>,
    %swap3A_226 = arith.constant 6 : i32
    %swap3A_227 = arith.index_cast %swap3A_226 : i32 to index
    %swap3A_228 = arith.constant 4118 : index
    %swap3A_229 = tpu.vector_load %arg6[%swap3A_227, %swap3A_228] {strides = array<i32>} : memref<8x8192xf32, #tpu.memory_space<vmem>>, vector<1x16xf32>,
    %swap3A_230 = vector.shape_cast %swap3A_229 : vector<1x16xf32> to vector<16xf32>
    %swap3A_231 = vector.shape_cast %broadcast_in_dim3A_29 : vector<16xf32> to vector<1x16xf32>
    tpu.vector_store %arg6[%swap3A_227, %swap3A_228], %swap3A_231 {strides = array<i32>} : memref<8x8192xf32, #tpu.memory_space<vmem>>, vector<1x16xf32>,
    %swap3A_232 = arith.constant 7 : i32
    %swap3A_233 = arith.index_cast %swap3A_232 : i32 to index
    %swap3A_234 = arith.constant 4103 : index
    %swap3A_235 = tpu.vector_load %arg6[%swap3A_233, %swap3A_234] {strides = array<i32>} : memref<8x8192xf32, #tpu.memory_space<vmem>>, vector<1x16xf32>,
    %swap3A_236 = vector.shape_cast %swap3A_235 : vector<1x16xf32> to vector<16xf32>
    %swap3A_237 = vector.shape_cast %broadcast_in_dim3A_29 : vector<16xf32> to vector<1x16xf32>
    tpu.vector_store %arg6[%swap3A_233, %swap3A_234], %swap3A_237 {strides = array<i32>} : memref<8x8192xf32, #tpu.memory_space<vmem>>, vector<1x16xf32>,
    %swap3A_238 = arith.constant 7 : i32
    %swap3A_239 = arith.index_cast %swap3A_238 : i32 to index
    %swap3A_240 = arith.constant 4119 : index
    %swap3A_241 = tpu.vector_load %arg6[%swap3A_239, %swap3A_240] {strides = array<i32>} : memref<8x8192xf32, #tpu.memory_space<vmem>>, vector<1x16xf32>,
    %swap3A_242 = vector.shape_cast %swap3A_241 : vector<1x16xf32> to vector<16xf32>
    %swap3A_243 = vector.shape_cast %broadcast_in_dim3A_29 : vector<16xf32> to vector<1x16xf32>
    tpu.vector_store %arg6[%swap3A_239, %swap3A_240], %swap3A_243 {strides = array<i32>} : memref<8x8192xf32, #tpu.memory_space<vmem>>, vector<1x16xf32>,
    %mul3A_244 = arith.constant 128 : i32
    %mul3A_245 = arith.muli %add3A, %mul3A_244 : i32
    %scan3A_246 = arith.constant 0 : i32
    %scan3A_247 = arith.constant 0 : i32
    %scan3A_248 = arith.constant 16 : i32
    %scan3A_249 = arith.addi %scan3A_247, %scan3A_248 : i32
    %scan3A_250 = arith.constant 1 : i32
    scf.for %scan3A_258 = %scan3A_247 to %scan3A_249 step %scan3A_250  : i32 {
      %mul3A_259 = arith.constant 8 : i32
      %mul3A_260 = arith.muli %scan3A_258, %mul3A_259 : i32
      %add3A_261 = arith.addi %mul3A_245, %mul3A_260 : i32
      %sub3A = arith.constant 4096 : i32
      %sub3A_262 = arith.subi %sub3A, %add3A_261 : i32
      %dma_start3A_263 = arith.constant 0 : i32
      %dma_start3A_264 = tpu.memref_slice %arg6[%dma_start3A_263, %sub3A_262] : memref<8x8192xf32, #tpu.memory_space<vmem>> -> memref<8x4096xf32, #tpu.memory_space<vmem>>
      %dma_start3A_265 = arith.constant 0 : i32
      %dma_start3A_266 = tpu.memref_slice %arg4[%add3A_261, %dma_start3A_265] : memref<4096x4096xf32, #tpu.memory_space<hbm>> -> memref<8x4096xf32, #tpu.memory_space<hbm>>
      %dma_start3A_267 = arith.constant 0 : i32
      %dma_start3A_268 = tpu.memref_slice %arg4[%add3A_261, %dma_start3A_267] : memref<4096x4096xf32, #tpu.memory_space<hbm>> -> memref<8x4096xf32, #tpu.memory_space<hbm>>
      %dma_start3A_269 = arith.constant 0 : i32
      %dma_start3A_270 = tpu.memref_slice %arg6[%dma_start3A_269, %sub3A_262] : memref<8x8192xf32, #tpu.memory_space<vmem>> -> memref<8x4096xf32, #tpu.memory_space<vmem>>
      tpu.enqueue_dma source(%dma_start3A_270 : memref<8x4096xf32, #tpu.memory_space<vmem>>) target(%dma_start3A_268 : memref<8x4096xf32, #tpu.memory_space<hbm>>) target_semaphore(%arg7 : memref<!tpu.dma_semaphore, #tpu.memory_space<semaphore_mem>>)
    }
    %scan3A_251 = arith.constant 16 : i32
    %scan3A_252 = arith.constant 0 : i32
    %scan3A_253 = arith.constant 0 : i32
    %scan3A_254 = arith.constant 16 : i32
    %scan3A_255 = arith.addi %scan3A_253, %scan3A_254 : i32
    %scan3A_256 = arith.constant 1 : i32
    scf.for %scan3A_258 = %scan3A_253 to %scan3A_255 step %scan3A_256  : i32 {
      %mul3A_259 = arith.constant 8 : i32
      %mul3A_260 = arith.muli %scan3A_258, %mul3A_259 : i32
      %add3A_261 = arith.addi %mul3A_245, %mul3A_260 : i32
      %sub3A = arith.constant 4096 : i32
      %sub3A_262 = arith.subi %sub3A, %add3A_261 : i32
      %dma_wait3A_263 = arith.constant 0 : i32
      %dma_wait3A_264 = tpu.memref_slice %arg6[%dma_wait3A_263, %sub3A_262] : memref<8x8192xf32, #tpu.memory_space<vmem>> -> memref<8x4096xf32, #tpu.memory_space<vmem>>
      %dma_wait3A_265 = arith.constant 0 : i32
      %dma_wait3A_266 = tpu.memref_slice %arg4[%add3A_261, %dma_wait3A_265] : memref<4096x4096xf32, #tpu.memory_space<hbm>> -> memref<8x4096xf32, #tpu.memory_space<hbm>>
      %dma_wait3A_267 = arith.constant 0 : i32
      %dma_wait3A_268 = tpu.memref_slice %arg4[%add3A_261, %dma_wait3A_267] : memref<4096x4096xf32, #tpu.memory_space<hbm>> -> memref<8x4096xf32, #tpu.memory_space<hbm>>
      %dma_wait3A_269 = arith.constant 0 : i32
      %dma_wait3A_270 = tpu.memref_slice %arg6[%dma_wait3A_269, %sub3A_262] : memref<8x8192xf32, #tpu.memory_space<vmem>> -> memref<8x4096xf32, #tpu.memory_space<vmem>>
      tpu.wait_dma2 semaphore(%arg7 : memref<!tpu.dma_semaphore, #tpu.memory_space<semaphore_mem>>) src(%dma_wait3A_270 : memref<8x4096xf32, #tpu.memory_space<vmem>>) dst(%dma_wait3A_268 : memref<8x4096xf32, #tpu.memory_space<hbm>>)
    }
    %scan3A_257 = arith.constant 16 : i32
    return
  }
}

</mosaic_0001>

<sc_bundles>
// kernel: kernel.3.cloned.1.call-start
scs
__scs_entry_jumppad:
0x0: {  	(pc) =	sbr.rel $0x88, $3  }
0x1: {  	(tag) =	ssettag $0x0;
	lr =	simm.s32 $0x1  }
0x2: {  	[smem:$0x3FA0] =	sst lr;
	_ =	strace $0xD0000000  }
0x3: {  	_ = 	snop  }
0x4: {  	_ = 	snop  }
0x5: {  	_ = 	snop  }
0x6: {  	_ = 	snop  }
0x7: {  	_ = 	snop  }
__scs_overlays_trampoline_lowered:
0x8: {  	[smem:$0x3FAF] =	sst s0  }
0x9: {  	[smem:$0x3FB0] =	sst s1  }
0xa: {  	[smem:$0x3FB1] =	sst s2  }
0xb: {  	[smem:$0x3FB2] =	sst s3  }
0xc: {  	[smem:$0x3FB3] =	sst s4  }
0xd: {  	[smem:$0x3FB4] =	sst s5  }
0xe: {  	[smem:$0x3FB5] =	sst s6  }
0xf: {  	[smem:$0x3FB6] =	sst s7  }
0x10: {  	[smem:$0x3FB7] =	sst s8  }
0x11: {  	[smem:$0x3FB8] =	sst s9;
	s0 =	simm.s32 @!p0 $0x0  }
0x12: {  	s1 =	sld [smem:$0x3F9E];
	s0 =	simm.s32 @p0 $0x1  }
0x13: {  	[smem:$0x3FB9] =	sst s0;
	s0 =	simm.s32 @!p1 $0x0  }
0x14: {  	s2 =	sld [smem:$0x3F9D];
	s0 =	simm.s32 @p1 $0x1  }
0x15: {  	[smem:$0x3FBA] =	sst s0;
	s0 =	simm.s32 @!p2 $0x0  }
0x16: {  	s3 =	sld [smem:$0x3FDB];
	s0 =	simm.s32 @p2 $0x1  }
0x17: {  	s4 =	simm.s32 $0x1BF5;
	[smem:$0x3FBC] =	sst s0  }
0x18: {  	s0 =	sld [smem:$0x3F9F];
	_ =	swait.ge [sflag:s4], $0x0  }
0x19: {  	s7 =	sld [smem:$0x3FA0]  }
0x1a: {  	s8 =	sadd.s32 $0xFFFFE003, lr  }
0x1b: {  	s9 =	sadd.s32 $0xFFFFFEF7, lr;
	s5 =	simm.s32 $0xFFFFFFFF;
	p2 =	slt.u32 s8, $0xFFFFF086  }
0x1c: {  	p1 =	slt.u32 s9, $0xF7A;
	s5 =	simm.s32 @!p2 $0x0  }
0x1d: {  	s5 =	simm.s32 @p1 $0x1;
	p0 =	seq.s32 s7, s2  }
0x1e: {  	s7 =	smul.u32 @!p0 $0xF7A, s2;
	p2 =	seq.s32 @!p0 s5, $0x0  }
0x1f: {  	s9 =	smul.u32 $0xF7A, s1;
	s8 =	simm.s32 @!p0 $0x1BF5;
	p2 =	por !p2, p0  }
0x20: {  	[sflag:s8] =	ssyncset.s32 @!p0 $0xFFFFF086;
	s6 =	sadd.s32 @!p0 s3, s7;
	s7 =	simm.s32 @!p0 $0x108  }
0x21: {  	s3 =	sadd.s32 s3, s9;
	s6 =	sadd.s32 @!p0 $0x88, s6;
	s7 =	simm.s32 @p2 $0x1082  }
0x22: {  	[simem:s7], [sflag:s8] =	dma.local @!p0 [hbm:s6], $0xF7A  }
0x23: {  	s9 =	sor.u32 $0xD0000000, s2;
	s6 =	simm.s32 $0x108;
	_ =	swait.ge @!p0 [sflag:s8], $0x0  }
0x24: {  	s3 =	sadd.s32 $0x88, s3;
	s6 =	simm.s32 @!p1 $0x1082;
	[sflag:s4] =	ssyncset.s32 $0xFFFFF086  }
0x25: {  	[simem:s6], [sflag:s4] =	dma.local [hbm:s3], $0xF7A  }
0x26: {  	[smem:$0x3FA0] =	sst s1;
	(tag) =	ssettag s2;
	_ =	strace s9  }
0x27: {  	s1 =	sld [smem:$0x3FB0]  }
0x28: {  	s2 =	sld [smem:$0x3FB1]  }
0x29: {  	s4 =	sld [smem:$0x3FB3]  }
0x2a: {  	p0 =	seq.s32 s5, $0x0;
	s5 =	sld [smem:$0x3FB4]  }
0x2b: {  	s6 =	sld [smem:$0x3FB5]  }
0x2c: {  	s7 =	sld [smem:$0x3FB6]  }
0x2d: {  	s3 =	simm.s32 $0x108;
	s8 =	sld [smem:$0x3FB7]  }
0x2e: {  	s3 =	simm.s32 @!p0 $0x1082;
	s9 =	sld [smem:$0x3FB8]  }
0x2f: {  	lr =	sadd.s32 s0, s3;
	s0 =	sld [smem:$0x3FAF]  }
0x30: {  	s3 =	sld [smem:$0x3FB2]  }
0x31: {  	[smem:$0x3FBB] =	sst s10  }
0x32: {  	s10 =	sld [smem:$0x3FB9];
	_ =	sdelay $0x3  }
0x33: {  	p0 =	seq.s32 s10, $0x1;
	s10 =	sld [smem:$0x3FBB];
	_ =	sdelay $0x3  }
0x34: {  	[smem:$0x3FBB] =	sst s10  }
0x35: {  	s10 =	sld [smem:$0x3FBA];
	_ =	sdelay $0x3  }
0x36: {  	p1 =	seq.s32 s10, $0x1;
	s10 =	sld [smem:$0x3FBB];
	_ =	sdelay $0x3  }
0x37: {  	[smem:$0x3FBB] =	sst s10  }
0x38: {  	s10 =	sld [smem:$0x3FBC]  }
0x39: {  	_ = 	snop;
	(pc) =	sbr.ind lr, $3  }
0x3a: {  	_ = 	snop  }
0x3b: {  	_ = 	snop  }
0x3c: {  	p2 =	seq.s32 s10, $0x1;
	s10 =	sld [smem:$0x3FBB]  }
0x3d: {  	_ =	shalt  }
0x3e: {  	_ =	shalt  }
0x3f: {  	_ =	shalt  }
0x40: {  	_ =	shalt  }
0x41: {  	_ =	shalt  }
0x42: {  	_ =	shalt  }
0x43: {  	_ =	shalt  }
0x44: {  	_ =	shalt  }
0x45: {  	_ =	shalt  }
0x46: {  	_ =	shalt  }
0x47: {  	_ =	shalt  }
0x48: {  	_ =	shalt  }
0x49: {  	_ =	shalt  }
0x4a: {  	_ =	shalt  }
0x4b: {  	_ =	shalt  }
0x4c: {  	_ =	shalt  }
0x4d: {  	_ =	shalt  }
0x4e: {  	_ =	shalt  }
0x4f: {  	_ =	shalt  }
0x50: {  	_ =	shalt  }
0x51: {  	_ =	shalt  }
0x52: {  	_ =	shalt  }
0x53: {  	_ =	shalt  }
0x54: {  	_ =	shalt  }
0x55: {  	_ =	shalt  }
0x56: {  	_ =	shalt  }
0x57: {  	_ =	shalt  }
0x58: {  	_ =	shalt  }
0x59: {  	_ =	shalt  }
0x5a: {  	_ =	shalt  }
0x5b: {  	_ =	shalt  }
0x5c: {  	_ =	shalt  }
0x5d: {  	_ =	shalt  }
0x5e: {  	_ =	shalt  }
0x5f: {  	_ =	shalt  }
0x60: {  	_ =	shalt  }
0x61: {  	_ =	shalt  }
0x62: {  	_ =	shalt  }
0x63: {  	_ =	shalt  }
0x64: {  	_ =	shalt  }
0x65: {  	_ =	shalt  }
0x66: {  	_ =	shalt  }
0x67: {  	_ =	shalt  }
0x68: {  	_ =	shalt  }
0x69: {  	_ =	shalt  }
0x6a: {  	_ =	shalt  }
0x6b: {  	_ =	shalt  }
0x6c: {  	_ =	shalt  }
0x6d: {  	_ =	shalt  }
0x6e: {  	_ =	shalt  }
0x6f: {  	_ =	shalt  }
0x70: {  	_ =	shalt  }
0x71: {  	_ =	shalt  }
0x72: {  	_ =	shalt  }
0x73: {  	_ =	shalt  }
0x74: {  	_ =	shalt  }
0x75: {  	_ =	shalt  }
0x76: {  	_ =	shalt  }
0x77: {  	_ =	shalt  }
0x78: {  	_ =	shalt  }
0x79: {  	_ =	shalt  }
0x7a: {  	_ =	shalt  }
0x7b: {  	_ =	shalt  }
0x7c: {  	_ =	shalt  }
0x7d: {  	_ =	shalt  }
0x7e: {  	_ =	shalt  }
0x7f: {  	_ =	shalt  }
0x80: {  	_ =	shalt  }
0x81: {  	_ =	shalt  }
0x82: {  	_ =	shalt  }
0x83: {  	_ =	shalt  }
0x84: {  	_ =	shalt  }
0x85: {  	_ =	shalt  }
0x86: {  	_ =	shalt  }
0x87: {  	_ =	shalt  }
.Lfunc_end0:
.L_simem_size_0:
called_computation_lowered:
.L_overlay_start_0:
0x88: {  	s2 =	sld [smem:$0x3FD9]  }
0x89: {  	s3 =	sld [smem:$0x3FFE];
	_ =	sdelay $0x1  }
0x8a: {  	s1 =	srdreg.scid  }
0x8b: {  	s0 =	sand.u32 $0x1, s1  }
0x8c: {  	s17 =	sshll.u32 s0, $0xA;
	s2 =	sadd.s32 s3, s2  }
0x8d: {  	s2 =	sadd.s32 s2, s17  }
0x8e: {  	[smem:$0x3FC7] =	sst s2  }
0x8f: {  	_ = 	snop  }
0x90: {  	s2 =	sld [smem:$0x3FC9]  }
0x91: {  	s18 =	sld [smem:$0x3FD0];
	(tm) =	ssettm $0x1  }
0x92: {  	s4 =	sld [smem:$0x3FFB];
	_ =	sdelay $0x3  }
0x93: {  	_ =	strace s4  }
0x94: {  	s4 =	sld [smem:$0x3FFC];
	_ =	sdelay $0x3  }
0x95: {  	_ =	strace s4  }
0x96: {  	s4 =	sld [smem:$0x3FFD];
	_ =	sdelay $0x3  }
0x97: {  	_ =	strace s4  }
0x98: {  	_ =	strace $0x8FFFFFFF  }
0x99: {  	s19 =	sld [smem:$0x3FDB];
	_ =	sdelay $0x1  }
0x9a: {  	s5 =	simm.s32 $_scs_section_size  }
0x9b: {  	s6 =	simm.s32 $_size__tile_overlayer_lowered;
	s7 =	simm.s32 $_tile_overlayer_lowered  }
0x9c: {  	s22 =	simm.s32 $0x1BFF;
	s21 =	sshll.u32 s7, $0x1;
	s4 =	sadd.s32 s5, s19  }
0x9d: {  	s8 =	simm.s32 $0x0;
	s20 =	sshll.u32 s6, $0x1;
	s6 =	sadd.s32 s21, s4  }
0x9e: {  	[timem:s8], [sflag:s22] =	dma.local [hbm:s6], s20  }
0x9f: {  	_ =	swait.ge [sflag:s22], s20  }
0xa0: {  	s5 =	ssub.s32 $0x0, s20;
	[sflag:s22] =	ssyncset.done $0x0  }
0xa1: {  	[sflag:s22] =	ssyncadd.s32 s5;
	_ =	sdelay $0x1  }
0xa2: {  	s23 =	simm.s32 $0x1B8B  }
0xa3: {  	_ =	swait.ge [sflag:s23], $0x1  }
0xa4: {  	[sflag:s23] =	ssyncset.done $0x0  }
0xa5: {  	s25 =	simm.s32 $0x1B8E;
	s24 =	sld [smem:$0x3FFE];
	[sflag:s23] =	ssyncadd.s32 $0xFFFFFFFF  }
0xa6: {  	s26 =	simm.s32 $execute0_lowered;
	[smem:$0x3FD2] =	sst s25  }
0xa7: {  	s6 =	sshll.u32 s26, $0x1;
	_ =	strace $0x80000046;
	[dreg:$0x1] =	wrdreg $0xFFFFFFFF  }
0xa8: {  	s28 =	simm.s32 $_size_execute0_lowered;
	s4 =	sadd.s32 s4, s6;
	[dreg:$0x0] =	wrdreg $0x0  }
0xa9: {  	s6 =	sshll.u32 s28, $0x1;
	[dreg:$0x2] =	wrdreg s4  }
0xaa: {  	[dreg:$0x3] =	wrdreg s6  }
0xab: {  	[dreg:$0x4] =	wrdreg $0xC0  }
0xac: {  	_ =	task [dreg:s8], $0x5FFFF  }
0xad: {  	[dreg:$0x1] =	wrdreg $0xFFFFFFFF  }
0xae: {  	[dreg:$0x0] =	wrdreg $0x60  }
0xaf: {  	[dreg:$0x2] =	wrdreg s24  }
0xb0: {  	[dreg:$0x3] =	wrdreg s2  }
0xb1: {  	[dreg:$0x4] =	wrdreg s18  }
0xb2: {  	[dreg:$0x5] =	wrdreg $0x9  }
0xb3: {  	_ =	task.clear_ibuf [dreg:s8], $0x6FFFF;
	_ =	strace $0x90000046  }
0xb4: {  	s29 =	simm.s32 $0x9;
	_ =	strace $0x80000048  }
0xb5: {  	_ =	swait.ge [sflag:s29], $0x1  }
0xb6: {  	[sflag:s29] =	ssyncadd.s32 $0xFFFFFFFF  }
0xb7: {  	_ =	strace $0x90000048  }
0xb8: {  	_ =	sfence  }
0xb9: {  	s30 =	sld [smem:$0x0];
	_ =	sdelay $0x2  }
0xba: {  	s31 =	sshll.u32 s1, $0xD;
	s1 =	sshrl.u32 s1, $0x2  }
0xbb: {  	s3 =	sand.u32 $0x4000, s31;
	s1 =	sadd.s32 s1, s30  }
0xbc: {  	s0 =	sor.u32 s3, s0;
	s1 =	sshll.u32 s1, $0x11  }
0xbd: {  	s0 =	sor.u32 s1, s0  }
0xbe: {  	s0 =	sadd.s32 $0x8F2B, s0  }
0xbf: {  	[sflag:s0] =	ssyncadd.remote.s32 $0x1  }
0xc0: {  	_ =	sfence.sel $0xFFFF  }
0xc1: {  	[dreg:$0x0] =	wrdreg $0xFFFFFFFF;
	(pc) =	sbr.abs _section_cstart, $3  }
0xc2: {  	[dreg:$0x1] =	wrdreg $0xFFFFFFFF  }
0xc3: {  	_ =	task.clear_ibuf [dreg:s8], $0x2FFFF;
	_ =	strace $0x9FFFFFFF  }
0xc4: {  	(tm) =	ssettm $0x7FFFFFFF  }
0xc5: {  	_ =	shalt  }
tec
execute0_lowered:
.L_overlay_start_1:
0x0: {  	(tag) =	ssettag $0x1  }
0x1: {  	s0 =	rddreg [dreg:$0x0]  }
0x2: {  	s1 =	srdreg.scid;
	s3 =	rddreg [dreg:$0x2];
	s2 =	simm.s32 $0x0  }
0x3: {  	s14 =	stileid.u32;
	s22 =	simm.s32 $0xE800;
	s23 =	simm.s32 $0x1820  }
0x4: {  	s28 =	simm.s32 $0x9820;
	s29 =	simm.s32 $0xB820;
	s30 =	simm.s32 $0xD820  }
0x5: {  	s31 =	simm.s32 $0xF820;
	s15 =	simm.s32 $0x0;
	s1 =	sand.u32 $0x1, s1  }
0x6: {  	[smem:$0x7FF] =	sst s2;
	s4 =	sadd.s32 $0x400, s0;
	s7 =	sadd.s32 $0x7F8, s0  }
0x7: {  	s8 =	sadd.s32 $0x9F4, s0;
	s9 =	sadd.s32 $0xBF0, s0;
	s10 =	sadd.s32 $0xDEC, s0  }
0x8: {  	s12 =	sshll.u32 s14, $0x9;
	s11 =	sadd.s32 $0xFE8, s0;
	s24 =	sshll.u32 s14, $0x10  }
0x9: {  	s5 =	ssub.s32 $0x2, s1;
	_ =	strace $0x80000047;
	s13 =	sshll.u32 s1, $0xD  }
0xa: {  	s1 =	sshll.u32 s1, $0x14;
	s6 =	sshrl.u32 s5, $0x1;
	s12 =	sor.u32 s13, s12  }
0xb: {  	s1 =	sadd.s32 s1, s3;
	s3 =	simm.s32 $0x2;
	s5 =	ssub.s32 s5, s6  }
0xc: {  	v0 =	vlaneseq.u32;
	s6 =	sadd.s32 $0x5FC, s0;
	s25 =	ssub.s32 $0x0, s12;
	s12 =	sadd.s32 $0x11E4, s0  }
0xd: {  	v0 =	vmul.u32 $0xFFFFFFFF, v0;
	s13 =	sadd.s32 s24, s1;
	s24 =	simm.s32 $0x3820;
	s0 =	simm.s32 $0x3  }
0xe: {  	v1 =	vimm.f32 $-1.000000000e+09;
	s1 =	simm.s32 $0x1;
	s5 =	smax.u32 s5, $0x1;
	s26 =	sshra.s32 s25, $0x2  }
0xf: {  	v0 =	vadd.s32 $0xF, v0;
	s25 =	simm.s32 $0x5820;
	s14 =	sadd.s32 $0x800, s26;
	s26 =	simm.s32 $0x7820  }
.LBB2_1:
0x10: {  	s16 =	simm.s32 $0x800  }
0x11: {  	[tilespmem:s16], [sflag:$0x2] =	stream.linear.gather [hbm4b:s4+s2], $0x7F0, $0x38;
	[tilespmem:$0x10800] =	vst v63  }
0x12: {  	s20 =	simm.s32 $0x2800  }
0x13: {  	[tilespmem:s20], [sflag:$0x2] =	stream.linear.gather [hbm4b:s6+s2], $0x7F0, $0x38;
	[tilespmem:$0x10800] =	vst v63  }
0x14: {  	s21 =	simm.s32 $0x4800  }
0x15: {  	[tilespmem:s21], [sflag:$0x2] =	stream.linear.gather [hbm4b:s7+s2], $0x7F0, $0x38;
	[tilespmem:$0x10800] =	vst v63  }
0x16: {  	s17 =	simm.s32 $0x6800  }
0x17: {  	[tilespmem:s17], [sflag:$0x2] =	stream.linear.gather [hbm4b:s8+s2], $0x7F0, $0x38;
	[tilespmem:$0x10800] =	vst v63  }
0x18: {  	s18 =	simm.s32 $0x8800  }
0x19: {  	[tilespmem:s18], [sflag:$0x2] =	stream.linear.gather [hbm4b:s9+s2], $0x7F0, $0x38;
	[tilespmem:$0x10800] =	vst v63  }
0x1a: {  	s19 =	simm.s32 $0xA800  }
0x1b: {  	[tilespmem:s19], [sflag:$0x2] =	stream.linear.gather [hbm4b:s10+s2], $0x7F0, $0x38;
	[tilespmem:$0x10800] =	vst v63  }
0x1c: {  	s20 =	simm.s32 $0xC800  }
0x1d: {  	[tilespmem:s20], [sflag:$0x2] =	stream.linear.gather [hbm4b:s11+s2], $0x7F0, $0x38;
	[tilespmem:$0x10800] =	vst v63  }
0x1e: {  	_ = 	snop  }
0x1f: {  	[tilespmem:s22], [sflag:$0x2] =	stream.linear.gather [hbm4b:s12+s2], $0x7F0, $0x38;
	[tilespmem:$0x10800] =	vst v63  }
0x20: {  	_ = 	snop  }
0x21: {  	[tilespmem:s23], [sflag:$0x2] =	stream.linear.gather [hbm4b:s4+s2], $0xFE0, $0x38;
	[tilespmem:$0x10800] =	vst v63  }
0x22: {  	_ = 	snop  }
0x23: {  	[tilespmem:s24], [sflag:$0x2] =	stream.linear.gather [hbm4b:s6+s2], $0xFE0, $0x38;
	[tilespmem:$0x10800] =	vst v63  }
0x24: {  	_ = 	snop  }
0x25: {  	[tilespmem:s25], [sflag:$0x2] =	stream.linear.gather [hbm4b:s7+s2], $0xFE0, $0x38;
	[tilespmem:$0x10800] =	vst v63  }
0x26: {  	_ = 	snop  }
0x27: {  	[tilespmem:s26], [sflag:$0x2] =	stream.linear.gather [hbm4b:s8+s2], $0xFE0, $0x38;
	[tilespmem:$0x10800] =	vst v63  }
0x28: {  	_ = 	snop  }
0x29: {  	[tilespmem:s28], [sflag:$0x2] =	stream.linear.gather [hbm4b:s9+s2], $0xFE0, $0x38;
	[tilespmem:$0x10800] =	vst v63  }
0x2a: {  	_ = 	snop  }
0x2b: {  	[tilespmem:s29], [sflag:$0x2] =	stream.linear.gather [hbm4b:s10+s2], $0xFE0, $0x38;
	[tilespmem:$0x10800] =	vst v63  }
0x2c: {  	_ = 	snop  }
0x2d: {  	[tilespmem:s30], [sflag:$0x2] =	stream.linear.gather [hbm4b:s11+s2], $0xFE0, $0x38;
	[tilespmem:$0x10800] =	vst v63  }
0x2e: {  	_ = 	snop  }
0x2f: {  	[tilespmem:s31], [sflag:$0x2] =	stream.linear.gather [hbm4b:s12+s2], $0xFE0, $0x38;
	[tilespmem:$0x10800] =	vst v63  }
0x30: {  	s21 =	rddreg [dreg:$0x1]  }
0x31: {  	[tilespmem:s2], [sflag:$0x3] =	stream.linear.gather [hbm4b:s21+s2], $0x800, $0x38;
	[tilespmem:$0x10800] =	vst v63  }
0x32: {  	_ =	swait.ge [sflag:s0], $0x800  }
0x33: {  	[sflag:s0] =	ssyncset.done $0x0  }
0x34: {  	[sflag:s0] =	ssyncadd.s32 $0xFFFFF800  }
0x35: {  	s16 =	simm.s32 $0x0;
	s17 =	simm.s32 $0xFFFFFFC0;
	s18 =	simm.s32 $0x0;
	v2 =	vld [tilespmem:s2+$0x0]  }
.LBB2_2:
0x36: {  	p0 =	sne.s32 s17, $0xFFFFE040;
	_ =	sdelay $0x3  }
0x37: {  	v2 =	vperm.xlane v2, v0  }
0x38: {  	s19 =	sshra.s32 s16, $0x2;
	s16 =	smov.u32 s17  }
0x39: {  	[tilespmem:s19+$0x17F0] =	vst v2  }
0x3a: {  	[tilespmem:s19+$0x37F1] =	vst v2  }
0x3b: {  	[tilespmem:s19+$0x57F2] =	vst v2  }
0x3c: {  	[tilespmem:s19+$0x77F3] =	vst v2  }
.Ltmp0:
0x3d: {  	[tilespmem:s19+$0x97F4] =	vst v2;
	(pc) =	sbr.rel @p0 .LBB2_2-.Ltmp0, $4  }
0x3e: {  	[tilespmem:s19+$0xB7F5] =	vst v2  }
0x3f: {  	[tilespmem:s19+$0xD7F6] =	vst v2  }
0x40: {  	s18 =	sadd.s32 $0x10, s18;
	[tilespmem:s19+$0xF7F7] =	vst v2  }
0x41: {  	s17 =	sadd.s32 $0xFFFFFFC0, s17;
	v2 =	vld [tilespmem:s18+$0x0]  }
0x42: {  	_ =	sdelay $0x3  }
0x43: {  	v2 =	vperm.xlane v2, v0  }
0x44: {  	s16 =	sshra.s32 s16, $0x2  }
0x45: {  	[tilespmem:s16+$0x17F0] =	vst v2  }
0x46: {  	[tilespmem:s16+$0x37F1] =	vst v2  }
0x47: {  	[tilespmem:s16+$0x57F2] =	vst v2  }
0x48: {  	[tilespmem:s16+$0x77F3] =	vst v2  }
0x49: {  	[tilespmem:s16+$0x97F4] =	vst v2  }
0x4a: {  	[tilespmem:s16+$0xB7F5] =	vst v2  }
0x4b: {  	[tilespmem:s16+$0xD7F6] =	vst v2  }
0x4c: {  	[tilespmem:s16+$0xF7F7] =	vst v2  }
0x4d: {  	[tilespmem:$0xFF1] =	vst v1  }
0x4e: {  	[tilespmem:$0x2FF2] =	vst v1  }
0x4f: {  	[tilespmem:$0x4FF3] =	vst v1  }
0x50: {  	[tilespmem:$0x6FF4] =	vst v1  }
0x51: {  	[tilespmem:$0x8FF5] =	vst v1  }
0x52: {  	[tilespmem:$0xAFF6] =	vst v1  }
0x53: {  	[tilespmem:$0xCFF7] =	vst v1  }
0x54: {  	[tilespmem:$0xEFF8] =	vst v1  }
0x55: {  	[tilespmem:$0xFF0] =	vst v1  }
0x56: {  	[tilespmem:$0x2FF0] =	vst v1  }
0x57: {  	[tilespmem:$0x4FF0] =	vst v1  }
0x58: {  	[tilespmem:$0x6FF0] =	vst v1  }
0x59: {  	[tilespmem:$0x8FF0] =	vst v1  }
0x5a: {  	[tilespmem:$0xAFF0] =	vst v1  }
0x5b: {  	[tilespmem:$0xCFF0] =	vst v1  }
0x5c: {  	[tilespmem:$0xEFF0] =	vst v1  }
0x5d: {  	_ =	swait.ge [sflag:s3], $0x3F80  }
0x5e: {  	[sflag:s3] =	ssyncset.done $0x0  }
0x5f: {  	[sflag:s3] =	ssyncadd.s32 $0xFFFFC080  }
0x60: {  	_ =	swait.ge [sflag:s3], $0x7F00  }
0x61: {  	[sflag:s3] =	ssyncset.done $0x0  }
0x62: {  	[sflag:s3] =	ssyncadd.s32 $0xFFFF8100  }
0x63: {  	[tilespmem:$0x1800] =	vst v1  }
0x64: {  	[tilespmem:$0x1810] =	vst v1  }
0x65: {  	[tilespmem:$0x3801] =	vst v1  }
0x66: {  	[tilespmem:$0x3811] =	vst v1  }
0x67: {  	[tilespmem:$0x5802] =	vst v1  }
0x68: {  	[tilespmem:$0x5812] =	vst v1  }
0x69: {  	[tilespmem:$0x7803] =	vst v1  }
0x6a: {  	[tilespmem:$0x7813] =	vst v1  }
0x6b: {  	[tilespmem:$0x9804] =	vst v1  }
0x6c: {  	[tilespmem:$0x9814] =	vst v1  }
0x6d: {  	[tilespmem:$0xB805] =	vst v1  }
0x6e: {  	[tilespmem:$0xB815] =	vst v1  }
0x6f: {  	[tilespmem:$0xD806] =	vst v1  }
0x70: {  	[tilespmem:$0xD816] =	vst v1  }
0x71: {  	s16 =	sadd.s32 $0x0, s14;
	[tilespmem:$0xF807] =	vst v1  }
0x72: {  	s17 =	sadd.s32 $0x1000, s16;
	[tilespmem:$0xF817] =	vst v1  }
0x73: {  	[hbm4b:s13+s2] =	stream.linear.scatter [tilespmem:s17], [sflag:$0x1], $0x1000, $0x38;
	[tilespmem:$0x10800] =	vst v63  }
0x74: {  	s18 =	sadd.s32 $0x200, s13;
	s19 =	sadd.s32 $0x3000, s16  }
0x75: {  	[hbm4b:s18+s2] =	stream.linear.scatter [tilespmem:s19], [sflag:$0x1], $0x1000, $0x38;
	[tilespmem:$0x10800] =	vst v63  }
0x76: {  	s21 =	sadd.s32 $0x400, s13;
	s20 =	sadd.s32 $0x5000, s16  }
0x77: {  	[hbm4b:s21+s2] =	stream.linear.scatter [tilespmem:s20], [sflag:$0x1], $0x1000, $0x38;
	[tilespmem:$0x10800] =	vst v63  }
0x78: {  	s18 =	sadd.s32 $0x7000, s16;
	s19 =	sadd.s32 $0x600, s13  }
0x79: {  	[hbm4b:s19+s2] =	stream.linear.scatter [tilespmem:s18], [sflag:$0x1], $0x1000, $0x38;
	[tilespmem:$0x10800] =	vst v63  }
0x7a: {  	s20 =	sadd.s32 $0x9000, s16;
	s21 =	sadd.s32 $0x800, s13  }
0x7b: {  	[hbm4b:s21+s2] =	stream.linear.scatter [tilespmem:s20], [sflag:$0x1], $0x1000, $0x38;
	[tilespmem:$0x10800] =	vst v63  }
0x7c: {  	s17 =	simm.s32 $0xFFFFFFF8;
	s18 =	sadd.s32 $0xB000, s16;
	s19 =	sadd.s32 $0xA00, s13  }
0x7d: {  	[hbm4b:s19+s2] =	stream.linear.scatter [tilespmem:s18], [sflag:$0x1], $0x1000, $0x38;
	[tilespmem:$0x10800] =	vst v63  }
0x7e: {  	s20 =	sadd.s32 $0xD000, s16;
	s21 =	sadd.s32 $0xC00, s13;
	s18 =	simm.s32 $0xFFFFFFC0  }
0x7f: {  	[hbm4b:s21+s2] =	stream.linear.scatter [tilespmem:s20], [sflag:$0x1], $0x1000, $0x38;
	[tilespmem:$0x10800] =	vst v63  }
0x80: {  	s19 =	sadd.s32 $0xF000, s16;
	s16 =	sadd.s32 $0x1000, s13;
	s20 =	sadd.s32 $0xE00, s13  }
.LBB2_4:
0x81: {  	[hbm4b:s20+s2] =	stream.linear.scatter [tilespmem:s19], [sflag:$0x1], $0x1000, $0x38;
	[tilespmem:$0x10800] =	vst v63  }
0x82: {  	s19 =	smov.u32 s18  }
0x83: {  	s21 =	sadd.s32 $0xFFFFFFE0, s18;
	s20 =	sadd.s32 s17, s14;
	s17 =	sshra.s32 s19, $0x2  }
0x84: {  	p0 =	sne.s32 s18, $0xFFFFFE20;
	s18 =	sadd.s32 $0x1000, s20  }
0x85: {  	[hbm4b:s16+s2] =	stream.linear.scatter [tilespmem:s18], [sflag:$0x1], $0x1000, $0x38;
	[tilespmem:$0x10800] =	vst v63  }
0x86: {  	s19 =	sadd.s32 $0x200, s16;
	s18 =	sadd.s32 $0x3000, s20  }
0x87: {  	[hbm4b:s19+s2] =	stream.linear.scatter [tilespmem:s18], [sflag:$0x1], $0x1000, $0x38;
	[tilespmem:$0x10800] =	vst v63  }
0x88: {  	s18 =	sadd.s32 $0x5000, s20;
	s19 =	sadd.s32 $0x400, s16  }
0x89: {  	[hbm4b:s19+s2] =	stream.linear.scatter [tilespmem:s18], [sflag:$0x1], $0x1000, $0x38;
	[tilespmem:$0x10800] =	vst v63  }
0x8a: {  	s18 =	sadd.s32 $0x7000, s20;
	s19 =	sadd.s32 $0x600, s16  }
0x8b: {  	[hbm4b:s19+s2] =	stream.linear.scatter [tilespmem:s18], [sflag:$0x1], $0x1000, $0x38;
	[tilespmem:$0x10800] =	vst v63  }
0x8c: {  	s18 =	sadd.s32 $0x9000, s20;
	s19 =	sadd.s32 $0x800, s16  }
0x8d: {  	[hbm4b:s19+s2] =	stream.linear.scatter [tilespmem:s18], [sflag:$0x1], $0x1000, $0x38;
	[tilespmem:$0x10800] =	vst v63  }
0x8e: {  	s18 =	sadd.s32 $0xB000, s20;
	s19 =	sadd.s32 $0xA00, s16  }
0x8f: {  	[hbm4b:s19+s2] =	stream.linear.scatter [tilespmem:s18], [sflag:$0x1], $0x1000, $0x38;
	[tilespmem:$0x10800] =	vst v63  }
.Ltmp1:
0x90: {  	_ = 	snop;
	(pc) =	sbr.rel @p0 .LBB2_4-.Ltmp1, $4  }
0x91: {  	s18 =	sadd.s32 $0xD000, s20;
	s19 =	sadd.s32 $0xC00, s16  }
0x92: {  	[hbm4b:s19+s2] =	stream.linear.scatter [tilespmem:s18], [sflag:$0x1], $0x1000, $0x38;
	[tilespmem:$0x10800] =	vst v63  }
0x93: {  	s19 =	sadd.s32 $0xF000, s20  }
0x94: {  	s20 =	sadd.s32 $0xE00, s16;
	s16 =	sadd.s32 $0x1000, s16;
	s18 =	smov.u32 s21  }
0x95: {  	[hbm4b:s20+s2] =	stream.linear.scatter [tilespmem:s19], [sflag:$0x1], $0x1000, $0x38;
	[tilespmem:$0x10800] =	vst v63  }
0x96: {  	s17 =	sadd.s32 s17, s14  }
0x97: {  	s18 =	sadd.s32 $0x1000, s17  }
0x98: {  	[hbm4b:s16+s2] =	stream.linear.scatter [tilespmem:s18], [sflag:$0x1], $0x1000, $0x38;
	[tilespmem:$0x10800] =	vst v63  }
0x99: {  	s21 =	sadd.s32 $0x200, s16;
	s20 =	sadd.s32 $0x3000, s17  }
0x9a: {  	[hbm4b:s21+s2] =	stream.linear.scatter [tilespmem:s20], [sflag:$0x1], $0x1000, $0x38;
	[tilespmem:$0x10800] =	vst v63  }
0x9b: {  	s20 =	sadd.s32 $0x5000, s17;
	s21 =	sadd.s32 $0x400, s16  }
0x9c: {  	[hbm4b:s21+s2] =	stream.linear.scatter [tilespmem:s20], [sflag:$0x1], $0x1000, $0x38;
	[tilespmem:$0x10800] =	vst v63  }
0x9d: {  	s20 =	sadd.s32 $0x7000, s17;
	s21 =	sadd.s32 $0x600, s16  }
0x9e: {  	[hbm4b:s21+s2] =	stream.linear.scatter [tilespmem:s20], [sflag:$0x1], $0x1000, $0x38;
	[tilespmem:$0x10800] =	vst v63  }
0x9f: {  	s20 =	sadd.s32 $0x9000, s17;
	s21 =	sadd.s32 $0x800, s16  }
0xa0: {  	[hbm4b:s21+s2] =	stream.linear.scatter [tilespmem:s20], [sflag:$0x1], $0x1000, $0x38;
	[tilespmem:$0x10800] =	vst v63  }
0xa1: {  	s20 =	sadd.s32 $0xB000, s17;
	s21 =	sadd.s32 $0xA00, s16  }
0xa2: {  	[hbm4b:s21+s2] =	stream.linear.scatter [tilespmem:s20], [sflag:$0x1], $0x1000, $0x38;
	[tilespmem:$0x10800] =	vst v63  }
0xa3: {  	s19 =	sadd.s32 $0xD000, s17;
	s20 =	sadd.s32 $0xC00, s16  }
0xa4: {  	[hbm4b:s20+s2] =	stream.linear.scatter [tilespmem:s19], [sflag:$0x1], $0x1000, $0x38;
	[tilespmem:$0x10800] =	vst v63  }
0xa5: {  	s17 =	sadd.s32 $0xF000, s17;
	s21 =	sadd.s32 $0xE00, s16  }
0xa6: {  	[hbm4b:s21+s2] =	stream.linear.scatter [tilespmem:s17], [sflag:$0x1], $0x1000, $0x38;
	[tilespmem:$0x10800] =	vst v63  }
0xa7: {  	_ =	swait.ge [sflag:s1], $0x8000  }
0xa8: {  	[sflag:s1] =	ssyncset.done $0x0  }
0xa9: {  	[sflag:s1] =	ssyncadd.s32 $0xFFFF8000  }
0xaa: {  	_ =	swait.ge [sflag:s1], $0x8000  }
0xab: {  	[sflag:s1] =	ssyncset.done $0x0  }
0xac: {  	[sflag:s1] =	ssyncadd.s32 $0xFFFF8000  }
0xad: {  	_ =	swait.ge [sflag:s1], $0x8000  }
0xae: {  	[sflag:s1] =	ssyncset.done $0x0  }
0xaf: {  	[sflag:s1] =	ssyncadd.s32 $0xFFFF8000  }
0xb0: {  	_ =	swait.ge [sflag:s1], $0x8000  }
0xb1: {  	[sflag:s1] =	ssyncset.done $0x0  }
0xb2: {  	[sflag:s1] =	ssyncadd.s32 $0xFFFF8000  }
0xb3: {  	_ =	swait.ge [sflag:s1], $0x8000  }
0xb4: {  	[sflag:s1] =	ssyncset.done $0x0  }
0xb5: {  	[sflag:s1] =	ssyncadd.s32 $0xFFFF8000  }
0xb6: {  	_ =	swait.ge [sflag:s1], $0x8000  }
0xb7: {  	[sflag:s1] =	ssyncset.done $0x0  }
0xb8: {  	[sflag:s1] =	ssyncadd.s32 $0xFFFF8000  }
0xb9: {  	_ =	swait.ge [sflag:s1], $0x8000  }
0xba: {  	[sflag:s1] =	ssyncset.done $0x0  }
0xbb: {  	[sflag:s1] =	ssyncadd.s32 $0xFFFF8000  }
0xbc: {  	_ =	swait.ge [sflag:s1], $0x8000  }
0xbd: {  	[sflag:s1] =	ssyncset.done $0x0  }
0xbe: {  	[sflag:s1] =	ssyncadd.s32 $0xFFFF8000  }
0xbf: {  	_ =	swait.ge [sflag:s1], $0x8000  }
0xc0: {  	[sflag:s1] =	ssyncset.done $0x0  }
0xc1: {  	[sflag:s1] =	ssyncadd.s32 $0xFFFF8000  }
0xc2: {  	_ =	swait.ge [sflag:s1], $0x8000  }
0xc3: {  	[sflag:s1] =	ssyncset.done $0x0  }
0xc4: {  	[sflag:s1] =	ssyncadd.s32 $0xFFFF8000  }
0xc5: {  	_ =	swait.ge [sflag:s1], $0x8000  }
0xc6: {  	[sflag:s1] =	ssyncset.done $0x0  }
0xc7: {  	[sflag:s1] =	ssyncadd.s32 $0xFFFF8000  }
0xc8: {  	_ =	swait.ge [sflag:s1], $0x8000  }
0xc9: {  	[sflag:s1] =	ssyncset.done $0x0  }
0xca: {  	[sflag:s1] =	ssyncadd.s32 $0xFFFF8000  }
0xcb: {  	_ =	swait.ge [sflag:s1], $0x8000  }
0xcc: {  	[sflag:s1] =	ssyncset.done $0x0  }
0xcd: {  	[sflag:s1] =	ssyncadd.s32 $0xFFFF8000  }
0xce: {  	_ =	swait.ge [sflag:s1], $0x8000  }
0xcf: {  	[sflag:s1] =	ssyncset.done $0x0  }
0xd0: {  	s15 =	sadd.s32 $0x1, s15;
	[sflag:s1] =	ssyncadd.s32 $0xFFFF8000  }
0xd1: {  	p0 =	sne.s32 s15, s5;
	_ =	swait.ge [sflag:s1], $0x8000  }
.Ltmp2:
0xd2: {  	[sflag:s1] =	ssyncset.done $0x0;
	(pc) =	sbr.rel @p0 .LBB2_1-.Ltmp2, $4  }
0xd3: {  	[sflag:s1] =	ssyncadd.s32 $0xFFFF8000  }
0xd4: {  	_ =	swait.ge [sflag:s1], $0x8000  }
0xd5: {  	[sflag:s1] =	ssyncset.done $0x0  }
0xd6: {  	[sflag:s1] =	ssyncadd.s32 $0xFFFF8000  }
0xd7: {  	_ =	sfence.sel $0x180000  }
0xd8: {  	[bflag:$0x0] =	sbarrier.arrive $0xFFFF  }
0xd9: {  	_ =	strace $0x90000047  }
0xda: {  	s0 =	stileid.u32;
	[bflag:$0x2] =	sbarrier.arrive $0xFFFF  }
0xdb: {  	p0 =	sne.s32 s0, $0x0;
	s0 =	rddreg [dreg:$0x3]  }
0xdc: {  	s0 =	sadd.s32 @!p0 $0x100000, s0  }
0xdd: {  	[sflag:s0] =	ssyncadd.tile.s32 @!p0 $0x1;
	_ =	shalt  }
.Lfunc_end2:
_tile_overlayer_lowered:
.L_overlay_start_2:
0xde: {  	(tag) =	ssettag $0x2  }
0xdf: {  	s0 =	rddreg [dreg:$0x0];
	s2 =	stileid.u32  }
0xe0: {  	s1 =	rddreg [dreg:$0x1];
	p0 =	sne.s32 s2, $0x0  }
0xe1: {  	s3 =	rddreg [dreg:$0x2];
	[bflag:$0x3] =	sbarrier.arrive $0xFFFF;
	s2 =	simm.s32 @!p0 $0x1C03  }
0xe2: {  	[timem:s3], [sflag:s2] =	dma.local @!p0 [hbm:s0], s1  }
0xe3: {  	s0 =	simm.s32 @!p0 $0x3  }
0xe4: {  	_ =	swait.ge @!p0 [sflag:s0], s1  }
0xe5: {  	s1 =	ssub.s32 @!p0 $0x0, s1;
	[sflag:s0] =	ssyncset.done @!p0 $0x0  }
0xe6: {  	[sflag:s0] =	ssyncadd.s32 @!p0 s1  }
0xe7: {  	[bflag:$0x3] =	sbarrier.arrive $0xFFFF  }
0xe8: {  	_ =	shalt  }

</sc_bundles>
